<compile_context>
chip_gen: v7x
topology: tpu7x:2x2x1
jax: 0.10.2.dev20260603
libtpu: 0.0.44.dev20260713+nightly
codegen_flags: <defaults>
</compile_context>

<pallas_src>
import jax
import jax.numpy as jnp
from jax.experimental import pallas as pl

N = 16384
K = 1000
KP = 1024
F = 16
TN = 2048
G = N // TN


def _body(x_ref, c_ref, c2_ref, dist_ref, asg_ref, ine_ref):
    x = x_ref[...]
    c = c_ref[...]
    c2 = c2_ref[...]
    x2 = jnp.sum(x * x, axis=1, keepdims=True)
    xc = jax.lax.dot_general(
        x, c, (((1,), (1,)), ((), ())), preferred_element_type=jnp.float32
    )
    d2 = jnp.maximum(x2 + c2 - 2.0 * xc, 0.0)
    m = jnp.min(d2, axis=1)
    idx = jnp.argmin(d2, axis=1).astype(jnp.int32)
    dist_ref[...] = jnp.pad(jnp.sqrt(d2), ((0, 0), (0, KP - K)))
    asg_ref[0, 0, :] = idx
    ine_ref[0, 0, :] = m


def kernel(data, centroids):
    c2 = jnp.sum(centroids * centroids, axis=1)[None, :]

    distances, asg3, ine3 = pl.pallas_call(
        _body,
        grid=(G,),
        in_specs=[
            pl.BlockSpec((TN, F), lambda i: (i, 0)),
            pl.BlockSpec((K, F), lambda i: (0, 0)),
            pl.BlockSpec((1, K), lambda i: (0, 0)),
        ],
        out_specs=[
            pl.BlockSpec((TN, KP), lambda i: (i, 0)),
            pl.BlockSpec((1, 1, TN), lambda i: (i, 0, 0)),
            pl.BlockSpec((1, 1, TN), lambda i: (i, 0, 0)),
        ],
        out_shape=[
            jax.ShapeDtypeStruct((N, KP), jnp.float32),
            jax.ShapeDtypeStruct((G, 1, TN), jnp.int32),
            jax.ShapeDtypeStruct((G, 1, TN), jnp.float32),
        ],
    )(data, centroids, c2)
    return distances[:, :K], asg3.reshape(N), ine3.reshape(N)

# --- scband reference (transcript-rebuilt; emitter-appended) ---
"""Pipeline reference for scband-kmeans-model-65798898974870 (READ-ONLY COPY).

The authoritative reference and input builder live on the scoring server;
editing this copy changes nothing except your own understanding.
"""

import jax, jax.numpy as jnp
import numpy as np

NUM_CLUSTERS = 1000
NUM_FEATURES = 16
NUM_POINTS = 16384


def setup_inputs(seed: int = 0) -> dict:
    key = jax.random.key(seed)
    k1, k2 = jax.random.split(key)
    data = jax.random.normal(k1, (NUM_POINTS, NUM_FEATURES), dtype=jnp.float32)
    # centroids buffer initialized from standard Normal (reset_parameters)
    centroids = jax.random.normal(k2, (NUM_CLUSTERS, NUM_FEATURES), dtype=jnp.float32)
    return {"data": data, "centroids": centroids}


def reference(data, centroids):
    # torch.cdist(data, centroids) -> Euclidean distances [N, K]
    x2 = jnp.sum(data * data, axis=1, keepdims=True)            # [N, 1]
    c2 = jnp.sum(centroids * centroids, axis=1)[None, :]        # [1, K]
    d2 = x2 + c2 - 2.0 * (data @ centroids.T)                   # [N, K]
    d2 = jnp.maximum(d2, 0.0)
    distances = jnp.sqrt(d2)
    # assignments = distances.min(1).indices
    assignments = jnp.argmin(distances, axis=1)                  # [N]
    # inertias = gathered distance squared
    inertias = jnp.take_along_axis(distances, assignments[:, None], axis=1).squeeze(1) ** 2
    return distances, assignments, inertias

if __name__ == "__main__":
    import jax
    _d = setup_inputs()
    print(jax.jit(kernel)(*tuple(_d.values())))

</pallas_src>

<mosaic_0001>
module attributes {stable_mosaic.version = 14 : i64} {
  func.func @_body(%arg0: i32, %arg1: memref<2048x16xf32, #tpu.memory_space<vmem>>, %arg2: memref<1000x16xf32, #tpu.memory_space<vmem>>, %arg3: memref<1x1000xf32, #tpu.memory_space<vmem>>, %arg4: memref<2048x1024xf32, #tpu.memory_space<vmem>>, %arg5: memref<1x1x2048xi32, #tpu.memory_space<vmem>>, %arg6: memref<1x1x2048xf32, #tpu.memory_space<vmem>>) attributes {dimension_semantics = [#tpu.dimension_semantics<arbitrary>], iteration_bounds = array<i64: 8>, scalar_prefetch = 0 : i64, scratch_operands = 0 : i64, tpu.core_type = #tpu.core_type<tc>, window_params = [{transform_indices = @transform_0, window_bounds = array<i64: 2048, 16>}, {pipeline_mode = #tpu.pipeline_mode<synchronous>, transform_indices = @transform_1, window_bounds = array<i64: 1000, 16>}, {pipeline_mode = #tpu.pipeline_mode<synchronous>, transform_indices = @transform_2, window_bounds = array<i64: 1, 1000>}, {transform_indices = @transform_3, window_bounds = array<i64: 2048, 1024>}, {transform_indices = @transform_4, window_bounds = array<i64: 1, 1, 2048>}, {transform_indices = @transform_5, window_bounds = array<i64: 1, 1, 2048>}]} {
    %get3A = arith.constant 0 : index
    %get3A_0 = arith.constant 0 : index
    %get3A_1 = vector.load %arg1[%get3A, %get3A_0] : memref<2048x16xf32, #tpu.memory_space<vmem>>, vector<2048x16xf32>
    %get3A_2 = arith.constant 0 : index
    %get3A_3 = arith.constant 0 : index
    %get3A_4 = vector.load %arg2[%get3A_2, %get3A_3] : memref<1000x16xf32, #tpu.memory_space<vmem>>, vector<1000x16xf32>
    %get3A_5 = arith.constant 0 : index
    %get3A_6 = arith.constant 0 : index
    %get3A_7 = vector.load %arg3[%get3A_5, %get3A_6] : memref<1x1000xf32, #tpu.memory_space<vmem>>, vector<1x1000xf32>
    %mul3A = arith.mulf %get3A_1, %get3A_1 : vector<2048x16xf32>
    %reduce_sum3A = arith.constant dense<0.000000e+00> : vector<2048xf32>
    %reduce_sum3A_8 = vector.multi_reduction <add>, %mul3A, %reduce_sum3A [1] : vector<2048x16xf32> to vector<2048xf32>
    %broadcast_in_dim3A = vector.shape_cast %reduce_sum3A_8 : vector<2048xf32> to vector<2048x1xf32>
    %dot_general3A = arith.constant dense<0.000000e+00> : vector<2048x1000xf32>
    %dot_general3A_9 = tpu.matmul %get3A_1, %get3A_4, %dot_general3A {dimension_numbers = #tpu.dot_dimension_numbers<[1], [1], [0], [0], [0, 0, 1, 0], [], []>, transpose_lhs_hint = false} : vector<2048x16xf32>, vector<1000x16xf32>, vector<2048x1000xf32> -> vector<2048x1000xf32>
    %add3A = vector.broadcast %broadcast_in_dim3A : vector<2048x1xf32> to vector<2048x1000xf32>
    %add3A_10 = vector.broadcast %get3A_7 : vector<1x1000xf32> to vector<2048x1000xf32>
    %add3A_11 = arith.addf %add3A, %add3A_10 : vector<2048x1000xf32>
    %mul3A_12 = arith.constant 2.000000e+00 : f32
    %mul3A_13 = vector.broadcast %mul3A_12 : f32 to vector<2048x1000xf32>
    %mul3A_14 = arith.mulf %mul3A_13, %dot_general3A_9 : vector<2048x1000xf32>
    %sub3A = arith.subf %add3A_11, %mul3A_14 : vector<2048x1000xf32>
    %max3A = arith.constant 0.000000e+00 : f32
    %max3A_15 = vector.broadcast %max3A : f32 to vector<2048x1000xf32>
    %max3A_16 = arith.maximumf %sub3A, %max3A_15 : vector<2048x1000xf32>
    %reduce_min3A = arith.constant dense<0x7F800000> : vector<2048xf32>
    %reduce_min3A_17 = vector.multi_reduction <minimumf>, %max3A_16, %reduce_min3A [1] : vector<2048x1000xf32> to vector<2048xf32>
    %argmin3A = tpu.reduce_index %max3A_16 {axis = 1 : i32, kind = #tpu.reduction_kind<arg_min>} : vector<2048x1000xf32> -> vector<2048xi32>
    %sqrt3A = math.sqrt %max3A_16 : vector<2048x1000xf32>
    %jit3A = arith.constant 0 : i32
    %convert_element_type3A = arith.sitofp %jit3A : i32 to f32
    %pad3A = vector.broadcast %convert_element_type3A : f32 to vector<2048x24xf32>
    %pad3A_18 = tpu.concatenate %sqrt3A, %pad3A in 1 : vector<2048x1000xf32>, vector<2048x24xf32> -> vector<2048x1024xf32>
    %swap3A = arith.constant 0 : index
    %swap3A_19 = arith.constant 0 : index
    %swap3A_20 = vector.load %arg4[%swap3A, %swap3A_19] : memref<2048x1024xf32, #tpu.memory_space<vmem>>, vector<2048x1024xf32>
    tpu.vector_store %arg4[%swap3A, %swap3A_19], %pad3A_18 {strides = array<i32>} : memref<2048x1024xf32, #tpu.memory_space<vmem>>, vector<2048x1024xf32>,
    %swap3A_21 = arith.constant 0 : index
    %swap3A_22 = arith.constant 0 : index
    %swap3A_23 = arith.constant 0 : index
    %swap3A_24 = vector.load %arg5[%swap3A_21, %swap3A_22, %swap3A_23] : memref<1x1x2048xi32, #tpu.memory_space<vmem>>, vector<1x1x2048xi32>
    %swap3A_25 = vector.shape_cast %swap3A_24 : vector<1x1x2048xi32> to vector<2048xi32>
    %swap3A_26 = vector.shape_cast %argmin3A : vector<2048xi32> to vector<1x1x2048xi32>
    tpu.vector_store %arg5[%swap3A_21, %swap3A_22, %swap3A_23], %swap3A_26 {strides = array<i32>} : memref<1x1x2048xi32, #tpu.memory_space<vmem>>, vector<1x1x2048xi32>,
    %swap3A_27 = arith.constant 0 : index
    %swap3A_28 = arith.constant 0 : index
    %swap3A_29 = arith.constant 0 : index
    %swap3A_30 = vector.load %arg6[%swap3A_27, %swap3A_28, %swap3A_29] : memref<1x1x2048xf32, #tpu.memory_space<vmem>>, vector<1x1x2048xf32>
    %swap3A_31 = vector.shape_cast %swap3A_30 : vector<1x1x2048xf32> to vector<2048xf32>
    %swap3A_32 = vector.shape_cast %reduce_min3A_17 : vector<2048xf32> to vector<1x1x2048xf32>
    tpu.vector_store %arg6[%swap3A_27, %swap3A_28, %swap3A_29], %swap3A_32 {strides = array<i32>} : memref<1x1x2048xf32, #tpu.memory_space<vmem>>, vector<1x1x2048xf32>,
    return
  }
  func.func @transform_0(%arg0: i32) -> (i32, i32) {
    %c0_i32 = arith.constant 0 : i32
    %c0_i32_0 = arith.constant 0 : i32
    return %arg0, %c0_i32 : i32, i32
  }
  func.func @transform_1(%arg0: i32) -> (i32, i32) {
    %c0_i32 = arith.constant 0 : i32
    %c0_i32_0 = arith.constant 0 : i32
    %c0_i32_1 = arith.constant 0 : i32
    return %c0_i32, %c0_i32_0 : i32, i32
  }
  func.func @transform_2(%arg0: i32) -> (i32, i32) {
    %c0_i32 = arith.constant 0 : i32
    %c0_i32_0 = arith.constant 0 : i32
    %c0_i32_1 = arith.constant 0 : i32
    return %c0_i32, %c0_i32_0 : i32, i32
  }
  func.func @transform_3(%arg0: i32) -> (i32, i32) {
    %c0_i32 = arith.constant 0 : i32
    %c0_i32_0 = arith.constant 0 : i32
    return %arg0, %c0_i32 : i32, i32
  }
  func.func @transform_4(%arg0: i32) -> (i32, i32, i32) {
    %c0_i32 = arith.constant 0 : i32
    %c0_i32_0 = arith.constant 0 : i32
    %c0_i32_1 = arith.constant 0 : i32
    return %arg0, %c0_i32, %c0_i32_0 : i32, i32, i32
  }
  func.func @transform_5(%arg0: i32) -> (i32, i32, i32) {
    %c0_i32 = arith.constant 0 : i32
    %c0_i32_0 = arith.constant 0 : i32
    %c0_i32_1 = arith.constant 0 : i32
    return %arg0, %c0_i32, %c0_i32_0 : i32, i32, i32
  }
}

</mosaic_0001>

<sc_bundles>
// kernel: sparse-core-data-format-call.cloned.1.call-start
scs
called_computation_lowered:
.L_overlay_start_0:
0x0: {  	s2 =	sld [smem:$0x3FD9]  }
0x1: {  	s3 =	sld [smem:$0x3FFE];
	_ =	sdelay $0x1  }
0x2: {  	s1 =	srdreg.scid  }
0x3: {  	s0 =	sand.u32 $0x1, s1  }
0x4: {  	s15 =	sshll.u32 s0, $0xA;
	s2 =	sadd.s32 s3, s2  }
0x5: {  	s2 =	sadd.s32 s2, s15  }
0x6: {  	[smem:$0x3FC6] =	sst s2  }
0x7: {  	_ = 	snop  }
0x8: {  	s2 =	sld [smem:$0x3FD0];
	_ =	sdelay $0x2  }
0x9: {  	s16 =	simm.s32 $0xA;
	s4 =	simm.s32 $0x10  }
0xa: {  	[smem:s4], [sflag:s16] =	dma.local [hbm:s2], $0x1  }
0xb: {  	_ =	swait.eq [sflag:s16], $0x1  }
0xc: {  	[sflag:s16] =	ssyncset.done $0x0  }
0xd: {  	[sflag:s16] =	ssyncadd.s32 $0xFFFFFFFF  }
0xe: {  	s17 =	sld [smem:$0x10];
	(tm) =	ssettm $0x1  }
0xf: {  	s18 =	sld [smem:$0x3FFB];
	_ =	sdelay $0x3  }
0x10: {  	_ =	strace s18  }
0x11: {  	s3 =	sld [smem:$0x3FFC];
	_ =	sdelay $0x3  }
0x12: {  	_ =	strace s3  }
0x13: {  	s3 =	sld [smem:$0x3FFD];
	_ =	sdelay $0x3  }
0x14: {  	_ =	strace s3  }
0x15: {  	_ =	strace $0x8FFFFFFF  }
0x16: {  	s19 =	sld [smem:$0x3FDB];
	_ =	sdelay $0x1  }
0x17: {  	s20 =	simm.s32 $_scs_section_size  }
0x18: {  	s5 =	simm.s32 $_size__tile_overlayer_lowered;
	s6 =	simm.s32 $_tile_overlayer_lowered  }
0x19: {  	s23 =	simm.s32 $0x1BFF;
	s22 =	sshll.u32 s6, $0x1;
	s3 =	sadd.s32 s20, s19  }
0x1a: {  	s7 =	simm.s32 $0x0;
	s21 =	sshll.u32 s5, $0x1;
	s5 =	sadd.s32 s22, s3  }
0x1b: {  	[timem:s7], [sflag:s23] =	dma.local [hbm:s5], s21  }
0x1c: {  	_ =	swait.ge [sflag:s23], s21  }
0x1d: {  	s4 =	ssub.s32 $0x0, s21;
	[sflag:s23] =	ssyncset.done $0x0  }
0x1e: {  	[sflag:s23] =	ssyncadd.s32 s4;
	_ =	sdelay $0x1  }
0x1f: {  	s24 =	simm.s32 $0x1B8B  }
0x20: {  	_ =	swait.ge [sflag:s24], $0x1  }
0x21: {  	[sflag:s24] =	ssyncset.done $0x0  }
0x22: {  	s26 =	simm.s32 $0x1B8E;
	s25 =	sld [smem:$0x3FFE];
	[sflag:s24] =	ssyncadd.s32 $0xFFFFFFFF  }
0x23: {  	s27 =	simm.s32 $execute0_lowered;
	[smem:$0x3FD2] =	sst s26  }
0x24: {  	s5 =	sshll.u32 s27, $0x1;
	_ =	strace $0x80000046;
	[dreg:$0x1] =	wrdreg $0xFFFFFFFF  }
0x25: {  	s28 =	simm.s32 $_size_execute0_lowered;
	s3 =	sadd.s32 s3, s5;
	[dreg:$0x0] =	wrdreg $0x0  }
0x26: {  	s5 =	sshll.u32 s28, $0x1;
	[dreg:$0x2] =	wrdreg s3  }
0x27: {  	[dreg:$0x3] =	wrdreg s5  }
0x28: {  	[dreg:$0x4] =	wrdreg $0xC0  }
0x29: {  	_ =	task [dreg:s7], $0x5FFFF  }
0x2a: {  	[dreg:$0x1] =	wrdreg $0xFFFFFFFF  }
0x2b: {  	[dreg:$0x0] =	wrdreg $0x60  }
0x2c: {  	[dreg:$0x2] =	wrdreg s25  }
0x2d: {  	[dreg:$0x3] =	wrdreg s17  }
0x2e: {  	[dreg:$0x4] =	wrdreg $0x9  }
0x2f: {  	_ =	task.clear_ibuf [dreg:s7], $0x5FFFF;
	_ =	strace $0x90000046  }
0x30: {  	s29 =	simm.s32 $0x9;
	_ =	strace $0x80000048  }
0x31: {  	_ =	swait.ge [sflag:s29], $0x1  }
0x32: {  	[sflag:s29] =	ssyncadd.s32 $0xFFFFFFFF  }
0x33: {  	_ =	strace $0x90000048  }
0x34: {  	_ =	sfence  }
0x35: {  	s30 =	sld [smem:$0x0];
	_ =	sdelay $0x2  }
0x36: {  	s31 =	sshll.u32 s1, $0xD;
	s1 =	sshrl.u32 s1, $0x2  }
0x37: {  	s3 =	sand.u32 $0x4000, s31;
	s1 =	sadd.s32 s1, s30  }
0x38: {  	s0 =	sor.u32 s3, s0;
	s1 =	sshll.u32 s1, $0x11  }
0x39: {  	s0 =	sor.u32 s1, s0  }
0x3a: {  	s0 =	sadd.s32 $0x8F2B, s0  }
0x3b: {  	[sflag:s0] =	ssyncadd.remote.s32 $0x1  }
0x3c: {  	_ =	sfence.sel $0xFFFF  }
0x3d: {  	[dreg:$0x0] =	wrdreg $0xFFFFFFFF;
	(pc) =	sbr.abs _section_cstart, $3  }
0x3e: {  	[dreg:$0x1] =	wrdreg $0xFFFFFFFF  }
0x3f: {  	_ =	task.clear_ibuf [dreg:s7], $0x2FFFF;
	_ =	strace $0x9FFFFFFF  }
0x40: {  	(tm) =	ssettm $0x7FFFFFFF  }
0x41: {  	_ =	shalt  }
tec
execute0_lowered:
.L_overlay_start_1:
0x0: {  	(tag) =	ssettag $0x1  }
0x1: {  	s0 =	srdreg.scid;
	s5 =	rddreg [dreg:$0x0]  }
0x2: {  	s3 =	rddreg [dreg:$0x1];
	s1 =	sshll.u32 s0, $0x4  }
0x3: {  	s7 =	simm.s32 $0x1;
	s0 =	stileid.u32;
	s1 =	sand.u32 $0x10, s1  }
0x4: {  	s8 =	simm.s32 $0x2;
	s15 =	simm.s32 $0x0;
	s1 =	sor.u32 s0, s1  }
0x5: {  	s14 =	simm.s32 $0x0;
	s9 =	simm.s32 $0x0;
	s2 =	sshll.u32 s1, $0x7  }
0x6: {  	s10 =	simm.s32 $0x0;
	s11 =	simm.s32 $0x0;
	s6 =	ssub.s32 $0x4000, s2  }
0x7: {  	s13 =	simm.s32 $0x0;
	s5 =	sadd.s32 $0x200, s5;
	s4 =	sand.u32 $0xF80, s6  }
.Ltmp0:
0x8: {  	s1 =	rddreg [dreg:$0x2];
	p0 =	sne.s32 s4, $0x0;
	(pc) =	sbr.rel .LBB1_1-.Ltmp0, $4  }
0x9: {  	_ =	strace $0x80000047;
	s6 =	sshrl.u32 s6, $0xC;
	s7 =	simm.s32 @!p0 $0x0  }
0xa: {  	s12 =	smov.u32 s2;
	s4 =	simm.s32 $0x1;
	s6 =	sadd.s32 s7, s6  }
0xb: {  	[sflag:s4] =	ssyncpa.u1 $0x0;
	p0 =	por $0x0, $0x0;
	s6 =	sshll.u32 s6, $0x3  }
0xc: {  	[sflag:s8] =	ssyncpa.u1 $0x0;
	s8 =	simm.s32 $0x20000;
	s7 =	sor.u32 $0x1, s6  }
.LBB1_4:
0xd: {  	s20 =	sshra.s32 s20, $0x2  }
0xe: {  	s28 =	sand.u32 $0x78, s10;
	s21 =	sshll.u32 s9, $0xE;
	s22 =	sshll.u32 s10, $0x3  }
0xf: {  	s24 =	sshll.u32 s9, $0x7;
	p1 =	sgt.s32 s9, $0x368;
	s30 =	sshra.s32 s9, $0x1F  }
0x10: {  	s26 =	sshra.s32 s10, $0x1F;
	s19 =	sadd.s32 s20, s19;
	s21 =	sand.u32 $0xFFFE0000, s21  }
0x11: {  	v5 =	vld [tilespmem:s17+$0xFFFFFFD0];
	[tilespmem:s18+$0x2040 ss:$0x81] =	vst.msk $0xffff, v4;
	s23 =	sand.u32 $0xFFFFFC00, s22;
	s29 =	sand.u32 $0x380, s24;
	s22 =	sand.u32 $0x3C00, s22  }
0x12: {  	v58 =	vld [tilespmem:s17+$0xFFFFFFE0];
	[tilespmem:s18+$0x2850 ss:$0x81] =	vst.msk $0xffff, v3;
	s21 =	sadd.s32 s23, s21;
	s20 =	sor.u32 s28, s22;
	s22 =	smov.u32 s9  }
0x13: {  	v59 =	vld [tilespmem:s17+$0xFFFFFFF0];
	[tilespmem:s18+$0x3060 ss:$0x81] =	vst.msk $0xffff, v2;
	s24 =	sand.u32 s30, s9;
	s21 =	sshrl.u32 s21, $0xE;
	s22 =	simm.s32 @!p1 $0x368  }
0x14: {  	v60 =	vld [tilespmem:s17+$0x0];
	[tilespmem:s18+$0x0 ss:$0x81] =	vst.msk $0xffff, v1;
	p1 =	sgt.s32 s10, $0x3F80;
	s31 =	ssub.s32 s22, s24;
	s22 =	smov.u32 s10  }
0x15: {  	v61 =	vld [tilespmem:s17+$0x10];
	[tilespmem:s19+$0x3870 ss:$0x81] =	vst.msk $0xffff, v0;
	s25 =	smulhi.u32 $0x418938, s21;
	s24 =	sand.u32 s26, s10;
	s22 =	simm.s32 @!p1 $0x3F80  }
0x16: {  	v62 =	vld [tilespmem:s17+$0x20];
	s20 =	sor.u32 s29, s20;
	[tilespmem:s19+$0x810 ss:$0x81] =	vst.msk $0xffff, v5;
	s27 =	sadd.s32 $0xFFFFFC98, s31;
	s22 =	ssub.s32 s22, s24  }
0x17: {  	v63 =	vld [tilespmem:s17+$0xFFFFFFC0];
	[tilespmem:s19+$0x1020 ss:$0x81] =	vst.msk $0xffff, v58;
	s18 =	ssub.s32 $0x3E8, s31;
	s28 =	smul.u32 $0x3E8, s25;
	s29 =	sadd.s32 $0xFFFFC080, s22  }
0x18: {  	[tilespmem:s19+$0x1830 ss:$0x81] =	vst.msk $0xffff, v59;
	p1 =	sgt.s32 s27, $0x7F;
	s22 =	ssub.s32 $0x4000, s22;
	p2 =	sgt.s32 s29, $0x7F  }
0x19: {  	s30 =	sand.u32 $0x7, s10;
	[tilespmem:s19+$0x2040 ss:$0x81] =	vst.msk $0xffff, v60;
	s18 =	simm.s32 @p1 $0x0;
	s22 =	simm.s32 @p2 $0x0  }
0x1a: {  	s20 =	sshrl.u32 s20, $0x3;
	[tilespmem:s19+$0x2850 ss:$0x81] =	vst.msk $0xffff, v61;
	s17 =	ssub.s32 s21, s28;
	s18 =	smul.u32 s22, s18  }
0x1b: {  	[tilespmem:s19+$0x3060 ss:$0x81] =	vst.msk $0xffff, v62;
	s20 =	sadd.s32 s3, s20;
	s21 =	sshll.u32 s30, $0x12;
	s17 =	sshll.u32 s17, $0xB  }
0x1c: {  	[tilespmem:s19+$0x0 ss:$0x81] =	vst.msk $0xffff, v63;
	s31 =	sor.u32 $0x400, s21;
	s17 =	sadd.s32 s17, s20;
	s18 =	sand.u32 $0x3FFFFFFF, s18  }
0x1d: {  	[hbm4b:s17+s31] =	stream.strided.scatter [tilespmem:s16], [sflag:$0x2], s18, s8, s31, $0x20;
	[tilespmem:$0x10100] =	vst v63  }
.LBB1_5:
0x1e: {  	p1 =	slt.u32 s13, $0x2  }
0x1f: {  	s17 =	smov.u32 s15;
	p2 =	sgt.s32 @!p1 s15, $0x368;
	s16 =	sshra.s32 @!p1 s15, $0x1F  }
0x20: {  	p3 =	sgt.s32 @!p1 s14, $0x3F80;
	s18 =	sshra.s32 @!p1 s14, $0x1F;
	p2 =	por !p2, p1  }
0x21: {  	s15 =	sand.u32 @!p1 s16, s15;
	p3 =	por !p3, p1;
	s16 =	smov.u32 s14  }
0x22: {  	s14 =	sand.u32 @!p1 s18, s14;
	s17 =	simm.s32 @p2 $0x368;
	s16 =	simm.s32 @p3 $0x3F80  }
0x23: {  	s15 =	ssub.s32 @!p1 s17, s15;
	s14 =	ssub.s32 @!p1 s16, s14  }
0x24: {  	s18 =	smov.u32 s12;
	s16 =	sadd.s32 @!p1 $0xFFFFFC98, s15;
	s17 =	sadd.s32 @!p1 $0xFFFFC080, s14  }
0x25: {  	s15 =	ssub.s32 @!p1 $0x3E8, s15;
	p2 =	sgt.s32 @!p1 s16, $0x7F;
	p3 =	sgt.s32 @!p1 s17, $0x7F  }
0x26: {  	s14 =	ssub.s32 @!p1 $0x4000, s14;
	p2 =	por !p2, p1;
	p3 =	por !p3, p1  }
0x27: {  	s16 =	sadd.s32 $0x80, s11;
	s15 =	simm.s32 @!p2 $0x0;
	s14 =	simm.s32 @!p3 $0x0  }
0x28: {  	p2 =	sgt.s32 s16, $0x3E7;
	s14 =	smul.u32 @!p1 s14, s15;
	s15 =	sadd.s32 $0x1000, s12  }
0x29: {  	s18 =	smov.u32 @p2 s15  }
0x2a: {  	s16 =	simm.s32 @p2 $0x0;
	p2 =	sgt.s32 s18, $0x3FFF  }
0x2b: {  	s18 =	smov.u32 @p2 s2;
	p2 =	sne.s32 s13, s7  }
.Ltmp1:
0x2c: {  	p0 =	por !p0, !p0;
	s17 =	simm.s32 @!p1 $0x2;
	(pc) =	sbr.rel @!p2 .LBB1_6-.Ltmp1, $4  }
0x2d: {  	s15 =	smov.u32 s9;
	s9 =	smov.u32 s11;
	s14 =	sand.u32 @!p1 $0x3FFFFFFF, s14  }
0x2e: {  	s11 =	smov.u32 s16;
	_ =	swait.ge @!p1 [sflag:s17], s14;
	s19 =	ssub.s32 @!p1 $0x0, s14  }
0x2f: {  	s14 =	smov.u32 s10;
	s13 =	sadd.s32 $0x1, s13;
	[sflag:s17] =	ssyncset.done @!p1 $0x0  }
0x30: {  	s10 =	smov.u32 s12;
	s12 =	smov.u32 s18;
	[sflag:s17] =	ssyncadd.s32 @!p1 s19  }
.LBB1_1:
0x31: {  	p1 =	sge.u32 s13, s6  }
0x32: {  	s31 =	sadd.s32 $0xFFFFFFFF, s13;
	s16 =	sshll.u32 @!p1 s12, $0xA  }
0x33: {  	s17 =	sshll.u32 @!p1 s11, $0x3;
	s18 =	sshll.u32 @!p1 s12, $0x7;
	s16 =	sand.u32 @!p1 $0xFFE000, s16  }
0x34: {  	s19 =	sand.u32 @!p1 $0x78, s11;
	s16 =	sadd.s32 @!p1 s16, s17;
	s17 =	sand.u32 @!p1 $0x380, s18  }
0x35: {  	s18 =	sxor.u32 @!p1 $0xFFFFFFFF, s13;
	s16 =	sand.u32 @!p1 $0xFFFC00, s16;
	s17 =	sor.u32 @!p1 s17, s19  }
0x36: {  	s18 =	sshll.u32 @!p1 s18, $0xE;
	s16 =	sor.u32 @!p1 s16, s17;
	s17 =	sand.u32 @!p1 $0x7, s11  }
0x37: {  	s19 =	simm.s32 @!p1 $0x2000;
	s16 =	sshrl.u32 @!p1 s16, $0x3;
	s17 =	sshll.u32 @!p1 s17, $0x12  }
0x38: {  	s18 =	sand.u32 @!p1 $0x4000, s18;
	s16 =	sadd.s32 @!p1 s5, s16;
	s17 =	sor.u32 @!p1 $0x400, s17  }
0x39: {  	[tilespmem:s18], [sflag:$0x1] =	stream.strided.gather @!p1 [hbm4b:s16+s17], $0x4000, s19, s17, $0x38;
	[tilespmem:$0x10100] =	vst v63  }
0x3a: {  	p1 =	sge.u32 s31, s6  }
.Ltmp2:
0x3b: {  	_ = 	snop;
	(pc) =	sbr.rel @p1 .LBB1_5-.Ltmp2, $1  }
0x3c: {  	_ =	sdelay $0x3  }
0x3d: {  	s16 =	simm.s32 $0x1  }
0x3e: {  	_ =	swait.ge [sflag:s4], $0x4000;
	s16 =	simm.s32 @!p0 $0x0  }
0x3f: {  	[sflag:s4] =	ssyncset.done $0x0;
	s17 =	sshll.u32 s16, $0xE  }
0x40: {  	[sflag:s4] =	ssyncadd.s32 $0xFFFFC000;
	s17 =	sor.u32 $0x40, s17  }
0x41: {  	s16 =	smul.u32 $0x10200, s16;
	v0 =	vld [tilespmem:s17+$0x30]  }
0x42: {  	v1 =	vld [tilespmem:s17+$0xFFFFFFD0]  }
0x43: {  	s16 =	sshrl.u32 s16, $0x2;
	v5 =	vld [tilespmem:s17+$0xFFFFFFE0]  }
0x44: {  	v6 =	vld [tilespmem:s17+$0xFFFFFFF0];
	s19 =	sor.u32 $0x8000, s16  }
0x45: {  	s31 =	sand.u32 $0x1, s13;
	v4 =	vld [tilespmem:s17+$0x0];
	s18 =	sadd.s32 $0x0, s19  }
0x46: {  	v3 =	vld [tilespmem:s17+$0x10];
	s16 =	smul.u32 $0x10200, s31;
	[tilespmem:s18+$0x3870 ss:$0x81] =	vst.msk $0xffff, v0  }
0x47: {  	v2 =	vld [tilespmem:s17+$0x20];
	[tilespmem:s18+$0x810 ss:$0x81] =	vst.msk $0xffff, v1  }
0x48: {  	s16 =	sshrl.u32 s16, $0x2;
	v1 =	vld [tilespmem:s17+$0xFFFFFFC0];
	[tilespmem:s18+$0x1020 ss:$0x81] =	vst.msk $0xffff, v5;
	s17 =	sadd.s32 $0x80, s17  }
0x49: {  	s20 =	simm.s32 $0x4;
	s21 =	simm.s32 $0x8;
	s16 =	sor.u32 $0x8000, s16;
	[tilespmem:s18+$0x1830 ss:$0x81] =	vst.msk $0xffff, v6;
	v0 =	vld [tilespmem:s17+$0x30]  }
.LBB1_3:
0x4a: {  	p1 =	sne.s32 s21, $0x1FC;
	v5 =	vld [tilespmem:s17+$0xFFFFFFD0];
	[tilespmem:s18+$0x2040 ss:$0x81] =	vst.msk $0xffff, v4  }
0x4b: {  	v6 =	vld [tilespmem:s17+$0xFFFFFFE0];
	[tilespmem:s18+$0x2850 ss:$0x81] =	vst.msk $0xffff, v3  }
0x4c: {  	s22 =	sshra.s32 s20, $0x2;
	s20 =	smov.u32 s21;
	v7 =	vld [tilespmem:s17+$0xFFFFFFF0];
	[tilespmem:s18+$0x3060 ss:$0x81] =	vst.msk $0xffff, v2  }
.Ltmp3:
0x4d: {  	v4 =	vld [tilespmem:s17+$0x0];
	[tilespmem:s18+$0x0 ss:$0x81] =	vst.msk $0xffff, v1;
	s18 =	sadd.s32 s22, s19;
	(pc) =	sbr.rel @p1 .LBB1_3-.Ltmp3, $4  }
0x4e: {  	v3 =	vld [tilespmem:s17+$0x10];
	[tilespmem:s18+$0x3870 ss:$0x81] =	vst.msk $0xffff, v0  }
0x4f: {  	[tilespmem:s18+$0x810 ss:$0x81] =	vst.msk $0xffff, v5;
	v2 =	vld [tilespmem:s17+$0x20]  }
0x50: {  	v1 =	vld [tilespmem:s17+$0xFFFFFFC0];
	[tilespmem:s18+$0x1020 ss:$0x81] =	vst.msk $0xffff, v6;
	s17 =	sadd.s32 $0x80, s17  }
0x51: {  	s21 =	sadd.s32 $0x4, s21;
	v0 =	vld [tilespmem:s17+$0x30];
	[tilespmem:s18+$0x1830 ss:$0x81] =	vst.msk $0xffff, v7  }
.Ltmp4:
0x52: {  	_ = 	snop;
	(pc) =	sbr.rel .LBB1_4-.Ltmp4, $1  }
0x53: {  	_ =	sdelay $0x3  }
.LBB1_6:
0x54: {  	_ =	sfence.sel $0x180000  }
0x55: {  	s2 =	simm.s32 $0x1;
	[bflag:$0x0] =	sbarrier.arrive $0xFFFF  }
0x56: {  	s31 =	simm.s32 $0x2;
	[sflag:s2] =	ssyncpa.u1 $0x1  }
0x57: {  	[sflag:s31] =	ssyncpa.u1 $0x1  }
0x58: {  	p0 =	sne.s32 s0, $0x0;
	_ =	strace $0x90000047  }
0x59: {  	s0 =	sadd.s32 @!p0 $0x100000, s1;
	[bflag:$0x2] =	sbarrier.arrive $0xFFFF  }
0x5a: {  	[sflag:s0] =	ssyncadd.tile.s32 @!p0 $0x1;
	_ =	shalt  }
.Lfunc_end1:
_tile_overlayer_lowered:
.L_overlay_start_2:
0x5b: {  	(tag) =	ssettag $0x2  }
0x5c: {  	s0 =	rddreg [dreg:$0x0];
	s2 =	stileid.u32  }
0x5d: {  	s1 =	rddreg [dreg:$0x1];
	p0 =	sne.s32 s2, $0x0  }
0x5e: {  	s3 =	rddreg [dreg:$0x2];
	[bflag:$0x3] =	sbarrier.arrive $0xFFFF;
	s2 =	simm.s32 @!p0 $0x1C01  }
0x5f: {  	[timem:s3], [sflag:s2] =	dma.local @!p0 [hbm:s0], s1  }
0x60: {  	s0 =	simm.s32 @!p0 $0x1  }
0x61: {  	_ =	swait.ge @!p0 [sflag:s0], s1  }
0x62: {  	s1 =	ssub.s32 @!p0 $0x0, s1;
	[sflag:s0] =	ssyncset.done @!p0 $0x0  }
0x63: {  	[sflag:s0] =	ssyncadd.s32 @!p0 s1  }
0x64: {  	[bflag:$0x3] =	sbarrier.arrive $0xFFFF  }
0x65: {  	_ =	shalt  }

</sc_bundles>
